<compile_context>
chip_gen: v7x
topology: tpu7x:2x2x1
jax: 0.10.2.dev20260603
libtpu: 0.0.44.dev20260713+nightly
codegen_flags: <defaults>
</compile_context>

<pallas_src>
import functools

import jax
import jax.numpy as jnp
from jax import lax
from jax.experimental import pallas as pl
from jax.experimental.pallas import tpu as pltpu
from jax.experimental.pallas import tpu_sc as plsc

B = 128
T = 8192
NC = 2
NS = 16
NW = NC * NS
ROWS_PER_W = B // NW
LANES = 16
CHUNKS = T // LANES
UNROLL = 4
SCALE = -1.0 / (B * T)


def _sc_partial_sums(logP, rewards):
    mesh = plsc.VectorSubcoreMesh(core_axis_name="c", subcore_axis_name="s")

    @functools.partial(
        pl.kernel,
        mesh=mesh,
        out_type=jax.ShapeDtypeStruct((NW, LANES), jnp.float32),
        scratch_types=[
            pltpu.VMEM((2, T), jnp.float32),
            pltpu.VMEM((B + LANES,), jnp.float32),
            pltpu.VMEM((LANES,), jnp.float32),
            pltpu.SemaphoreType.DMA,
            pltpu.SemaphoreType.DMA,
        ],
    )
    def k(logP_hbm, rew_hbm, out_hbm, buf_v, rew_v, acc_v, sem0, sem1):
        wid = lax.axis_index("s") * NC + lax.axis_index("c")
        base = wid * ROWS_PER_W
        sems = (sem0, sem1)

        pltpu.sync_copy(rew_hbm, rew_v.at[pl.ds(0, B)])
        copies = [
            pltpu.async_copy(logP_hbm.at[base], buf_v.at[0], sems[0])
        ]
        total = jnp.zeros((LANES,), jnp.float32)
        for row in range(ROWS_PER_W):
            slot = row % 2
            if row + 1 < ROWS_PER_W:
                copies.append(
                    pltpu.async_copy(
                        logP_hbm.at[base + row + 1],
                        buf_v.at[(row + 1) % 2],
                        sems[(row + 1) % 2],
                    )
                )
            copies[row].wait()

            r = rew_v[pl.ds(base + row, LANES)][0]

            def body(i, accs):
                off = i * (UNROLL * LANES)
                return tuple(
                    accs[j] + buf_v[slot, pl.ds(off + j * LANES, LANES)]
                    for j in range(UNROLL)
                )

            accs = lax.fori_loop(
                0,
                CHUNKS // UNROLL,
                body,
                tuple(jnp.zeros((LANES,), jnp.float32) for _ in range(UNROLL)),
            )
            racc = (accs[0] + accs[1]) + (accs[2] + accs[3])
            total = total + r * racc

        acc_v[...] = total * jnp.float32(SCALE)
        pltpu.sync_copy(acc_v, out_hbm.at[wid])

    return k(logP, rewards)


@jax.jit
def kernel(seq, logP, rewards):
    del seq
    partials = _sc_partial_sums(logP, rewards)
    return jnp.sum(partials)

# --- scband reference (transcript-rebuilt; emitter-appended) ---
"""Pipeline reference for scband-reward-criterion-topic-37838661877867 (READ-ONLY COPY).

The authoritative reference and input builder live on the scoring server;
editing this copy changes nothing except your own understanding.
"""

import jax, jax.numpy as jnp
import numpy as np


def setup_inputs(seed: int = 0) -> dict:
    key = jax.random.key(seed)
    k_seq, k_logp, k_rew = jax.random.split(key, 3)
    B, T = 128, 8192
    seq = jax.random.randint(k_seq, (B, T), 0, 50000, dtype=jnp.int64)
    logP = jax.random.normal(k_logp, (B, T), dtype=jnp.float32)
    rewards = jax.random.normal(k_rew, (B,), dtype=jnp.float32)
    return {"seq": seq, "logP": logP, "rewards": rewards}


def reference(seq, logP, rewards):
    # mask = seq >= 0 ; wt_mask = mask.float()
    mask = seq >= 0
    wt_mask = mask.astype(jnp.float32)
    # rewards.view(-1, 1).expand_as(logP)
    r = jnp.broadcast_to(rewards.reshape(-1, 1), logP.shape)
    # torch.masked_select + sum is equivalent to a masked sum:
    # sum over masked positions of -logP * r * wt_mask (wt_mask==1 where selected)
    num = jnp.sum(jnp.where(mask, -logP * r * wt_mask, jnp.float32(0.0)))
    den = jnp.sum(wt_mask)
    loss = num / den
    return loss

if __name__ == "__main__":
    import jax
    _d = setup_inputs()
    print(jax.jit(kernel)(*tuple(_d.values())))

</pallas_src>

<mosaic_0001>
#map = affine_map<(d0, d1) -> (0, 0)>
#map1 = affine_map<(d0, d1) -> (0)>
module attributes {stable_mosaic.version = 14 : i64} {
  func.func @k(%arg0: i32, %arg1: i32, %arg2: memref<128x8192xf32, #tpu.memory_space<hbm>>, %arg3: memref<128xf32, #tpu.memory_space<hbm>>, %arg4: memref<32x16xf32, #tpu.memory_space<hbm>>, %arg5: memref<2x8192xf32, #tpu.memory_space<vmem>>, %arg6: memref<144xf32, #tpu.memory_space<vmem>>, %arg7: memref<16xf32, #tpu.memory_space<vmem>>, %arg8: memref<!tpu.dma_semaphore, #tpu.memory_space<semaphore_mem>>, %arg9: memref<!tpu.dma_semaphore, #tpu.memory_space<semaphore_mem>>) attributes {dimension_semantics = [#tpu.dimension_semantics<core_parallel>, #tpu.dimension_semantics<subcore_parallel>], iteration_bounds = array<i64: 2, 16>, scalar_prefetch = 0 : i64, scratch_operands = 5 : i64, tpu.core_type = #tpu.core_type<sc_vector_subcore>, window_params = [{transform_indices = #map}, {transform_indices = #map1}, {transform_indices = #map}]} {
    %mul3A = arith.constant 2 : i32
    %mul3A_0 = arith.muli %arg1, %mul3A : i32
    %add3A = arith.addi %mul3A_0, %arg0 : i32
    %mul3A_1 = arith.constant 4 : i32
    %mul3A_2 = arith.muli %add3A, %mul3A_1 : i32
    "tpu.region"() ({
      %run_scoped3A = tpu.sem_alloc : memref<!tpu.dma_semaphore, #tpu.memory_space<semaphore_mem>>
      %dma_start3A_228 = arith.constant 0 : i32
      %dma_start3A_229 = tpu.memref_slice %arg6[%dma_start3A_228] : memref<144xf32, #tpu.memory_space<vmem>> -> memref<128xf32, #tpu.memory_space<vmem>>
      %dma_start3A_230 = arith.constant 0 : i32
      %dma_start3A_231 = tpu.memref_slice %arg6[%dma_start3A_230] : memref<144xf32, #tpu.memory_space<vmem>> -> memref<128xf32, #tpu.memory_space<vmem>>
      tpu.enqueue_dma source(%arg3 : memref<128xf32, #tpu.memory_space<hbm>>) target(%dma_start3A_231 : memref<128xf32, #tpu.memory_space<vmem>>) target_semaphore(%run_scoped3A : memref<!tpu.dma_semaphore, #tpu.memory_space<semaphore_mem>>)
      %dma_wait3A_232 = arith.constant 0 : i32
      %dma_wait3A_233 = tpu.memref_slice %arg6[%dma_wait3A_232] : memref<144xf32, #tpu.memory_space<vmem>> -> memref<128xf32, #tpu.memory_space<vmem>>
      %dma_wait3A_234 = arith.constant 0 : i32
      %dma_wait3A_235 = tpu.memref_slice %arg6[%dma_wait3A_234] : memref<144xf32, #tpu.memory_space<vmem>> -> memref<128xf32, #tpu.memory_space<vmem>>
      tpu.wait_dma2 semaphore(%run_scoped3A : memref<!tpu.dma_semaphore, #tpu.memory_space<semaphore_mem>>) src(%arg3 : memref<128xf32, #tpu.memory_space<hbm>>) dst(%dma_wait3A_235 : memref<128xf32, #tpu.memory_space<vmem>>)
      tpu.yield
    }) : () -> ()
    %dma_start3A = arith.constant 0 : i32
    %dma_start3A_3 = arith.constant 0 : i32
    %dma_start3A_4 = tpu.memref_slice %arg5[%dma_start3A, %dma_start3A_3] : memref<2x8192xf32, #tpu.memory_space<vmem>> -> memref<1x8192xf32, #tpu.memory_space<vmem>>
    %dma_start3A_5 = tpu.memref_squeeze %dma_start3A_4 : memref<1x8192xf32, #tpu.memory_space<vmem>> -> memref<8192xf32, #tpu.memory_space<vmem>>
    %dma_start3A_6 = arith.constant 0 : i32
    %dma_start3A_7 = tpu.memref_slice %arg2[%mul3A_2, %dma_start3A_6] : memref<128x8192xf32, #tpu.memory_space<hbm>> -> memref<1x8192xf32, #tpu.memory_space<hbm>>
    %dma_start3A_8 = tpu.memref_squeeze %dma_start3A_7 : memref<1x8192xf32, #tpu.memory_space<hbm>> -> memref<8192xf32, #tpu.memory_space<hbm>>
    %dma_start3A_9 = arith.constant 0 : i32
    %dma_start3A_10 = tpu.memref_slice %arg5[%dma_start3A, %dma_start3A_9] : memref<2x8192xf32, #tpu.memory_space<vmem>> -> memref<1x8192xf32, #tpu.memory_space<vmem>>
    %dma_start3A_11 = tpu.memref_squeeze %dma_start3A_10 : memref<1x8192xf32, #tpu.memory_space<vmem>> -> memref<8192xf32, #tpu.memory_space<vmem>>
    %dma_start3A_12 = arith.constant 0 : i32
    %dma_start3A_13 = tpu.memref_slice %arg2[%mul3A_2, %dma_start3A_12] : memref<128x8192xf32, #tpu.memory_space<hbm>> -> memref<1x8192xf32, #tpu.memory_space<hbm>>
    %dma_start3A_14 = tpu.memref_squeeze %dma_start3A_13 : memref<1x8192xf32, #tpu.memory_space<hbm>> -> memref<8192xf32, #tpu.memory_space<hbm>>
    tpu.enqueue_dma source(%dma_start3A_14 : memref<8192xf32, #tpu.memory_space<hbm>>) target(%dma_start3A_11 : memref<8192xf32, #tpu.memory_space<vmem>>) target_semaphore(%arg8 : memref<!tpu.dma_semaphore, #tpu.memory_space<semaphore_mem>>)
    %broadcast_in_dim3A = arith.constant 0.000000e+00 : f32
    %broadcast_in_dim3A_15 = vector.broadcast %broadcast_in_dim3A : f32 to vector<16xf32>
    %add3A_16 = arith.constant 0 : i32
    %add3A_17 = arith.addi %mul3A_2, %add3A_16 : i32
    %add3A_18 = arith.constant 1 : i32
    %add3A_19 = arith.addi %add3A_17, %add3A_18 : i32
    %dma_start3A_20 = arith.constant 1 : i32
    %dma_start3A_21 = arith.constant 0 : i32
    %dma_start3A_22 = tpu.memref_slice %arg5[%dma_start3A_20, %dma_start3A_21] : memref<2x8192xf32, #tpu.memory_space<vmem>> -> memref<1x8192xf32, #tpu.memory_space<vmem>>
    %dma_start3A_23 = tpu.memref_squeeze %dma_start3A_22 : memref<1x8192xf32, #tpu.memory_space<vmem>> -> memref<8192xf32, #tpu.memory_space<vmem>>
    %dma_start3A_24 = arith.constant 0 : i32
    %dma_start3A_25 = tpu.memref_slice %arg2[%add3A_19, %dma_start3A_24] : memref<128x8192xf32, #tpu.memory_space<hbm>> -> memref<1x8192xf32, #tpu.memory_space<hbm>>
    %dma_start3A_26 = tpu.memref_squeeze %dma_start3A_25 : memref<1x8192xf32, #tpu.memory_space<hbm>> -> memref<8192xf32, #tpu.memory_space<hbm>>
    %dma_start3A_27 = arith.constant 0 : i32
    %dma_start3A_28 = tpu.memref_slice %arg5[%dma_start3A_20, %dma_start3A_27] : memref<2x8192xf32, #tpu.memory_space<vmem>> -> memref<1x8192xf32, #tpu.memory_space<vmem>>
    %dma_start3A_29 = tpu.memref_squeeze %dma_start3A_28 : memref<1x8192xf32, #tpu.memory_space<vmem>> -> memref<8192xf32, #tpu.memory_space<vmem>>
    %dma_start3A_30 = arith.constant 0 : i32
    %dma_start3A_31 = tpu.memref_slice %arg2[%add3A_19, %dma_start3A_30] : memref<128x8192xf32, #tpu.memory_space<hbm>> -> memref<1x8192xf32, #tpu.memory_space<hbm>>
    %dma_start3A_32 = tpu.memref_squeeze %dma_start3A_31 : memref<1x8192xf32, #tpu.memory_space<hbm>> -> memref<8192xf32, #tpu.memory_space<hbm>>
    tpu.enqueue_dma source(%dma_start3A_32 : memref<8192xf32, #tpu.memory_space<hbm>>) target(%dma_start3A_29 : memref<8192xf32, #tpu.memory_space<vmem>>) target_semaphore(%arg9 : memref<!tpu.dma_semaphore, #tpu.memory_space<semaphore_mem>>)
    %dma_wait3A = arith.constant 0 : i32
    %dma_wait3A_33 = arith.constant 0 : i32
    %dma_wait3A_34 = tpu.memref_slice %arg5[%dma_wait3A, %dma_wait3A_33] : memref<2x8192xf32, #tpu.memory_space<vmem>> -> memref<1x8192xf32, #tpu.memory_space<vmem>>
    %dma_wait3A_35 = tpu.memref_squeeze %dma_wait3A_34 : memref<1x8192xf32, #tpu.memory_space<vmem>> -> memref<8192xf32, #tpu.memory_space<vmem>>
    %dma_wait3A_36 = arith.constant 0 : i32
    %dma_wait3A_37 = tpu.memref_slice %arg2[%mul3A_2, %dma_wait3A_36] : memref<128x8192xf32, #tpu.memory_space<hbm>> -> memref<1x8192xf32, #tpu.memory_space<hbm>>
    %dma_wait3A_38 = tpu.memref_squeeze %dma_wait3A_37 : memref<1x8192xf32, #tpu.memory_space<hbm>> -> memref<8192xf32, #tpu.memory_space<hbm>>
    %dma_wait3A_39 = arith.constant 0 : i32
    %dma_wait3A_40 = tpu.memref_slice %arg5[%dma_wait3A, %dma_wait3A_39] : memref<2x8192xf32, #tpu.memory_space<vmem>> -> memref<1x8192xf32, #tpu.memory_space<vmem>>
    %dma_wait3A_41 = tpu.memref_squeeze %dma_wait3A_40 : memref<1x8192xf32, #tpu.memory_space<vmem>> -> memref<8192xf32, #tpu.memory_space<vmem>>
    %dma_wait3A_42 = arith.constant 0 : i32
    %dma_wait3A_43 = tpu.memref_slice %arg2[%mul3A_2, %dma_wait3A_42] : memref<128x8192xf32, #tpu.memory_space<hbm>> -> memref<1x8192xf32, #tpu.memory_space<hbm>>
    %dma_wait3A_44 = tpu.memref_squeeze %dma_wait3A_43 : memref<1x8192xf32, #tpu.memory_space<hbm>> -> memref<8192xf32, #tpu.memory_space<hbm>>
    tpu.wait_dma2 semaphore(%arg8 : memref<!tpu.dma_semaphore, #tpu.memory_space<semaphore_mem>>) src(%dma_wait3A_44 : memref<8192xf32, #tpu.memory_space<hbm>>) dst(%dma_wait3A_41 : memref<8192xf32, #tpu.memory_space<vmem>>)
    %add3A_45 = arith.constant 0 : i32
    %add3A_46 = arith.addi %mul3A_2, %add3A_45 : i32
    %get3A = arith.index_cast %add3A_46 : i32 to index
    %get3A_47 = tpu.vector_load %arg6[%get3A] {strides = array<i32>} : memref<144xf32, #tpu.memory_space<vmem>>, vector<16xf32>,
    %get3A_48 = vector.shape_cast %get3A_47 : vector<16xf32> to vector<16xf32>
    %slice3A = vector.extract_strided_slice %get3A_48 {offsets = [0], sizes = [1], strides = [1]} : vector<16xf32> to vector<1xf32>
    %squeeze3A = vector.extract %slice3A[0] : f32 from vector<1xf32>
    %broadcast_in_dim3A_49 = arith.constant 0.000000e+00 : f32
    %broadcast_in_dim3A_50 = vector.broadcast %broadcast_in_dim3A_49 : f32 to vector<16xf32>
    %broadcast_in_dim3A_51 = arith.constant 0.000000e+00 : f32
    %broadcast_in_dim3A_52 = vector.broadcast %broadcast_in_dim3A_51 : f32 to vector<16xf32>
    %broadcast_in_dim3A_53 = arith.constant 0.000000e+00 : f32
    %broadcast_in_dim3A_54 = vector.broadcast %broadcast_in_dim3A_53 : f32 to vector<16xf32>
    %broadcast_in_dim3A_55 = arith.constant 0.000000e+00 : f32
    %broadcast_in_dim3A_56 = vector.broadcast %broadcast_in_dim3A_55 : f32 to vector<16xf32>
    %scan3A = arith.constant 0 : i32
    %scan3A_57 = arith.constant 128 : i32
    %scan3A_58 = arith.addi %scan3A, %scan3A_57 : i32
    %scan3A_59 = arith.constant 1 : i32
    %scan3A_60:4 = scf.for %scan3A_228 = %scan3A to %scan3A_58 step %scan3A_59 iter_args(%scan3A_229 = %broadcast_in_dim3A_50, %scan3A_230 = %broadcast_in_dim3A_52, %scan3A_231 = %broadcast_in_dim3A_54, %scan3A_232 = %broadcast_in_dim3A_56) -> (vector<16xf32>, vector<16xf32>, vector<16xf32>, vector<16xf32>)  : i32 {
      %mul3A_233 = arith.constant 64 : i32
      %mul3A_234 = arith.muli %scan3A_228, %mul3A_233 : i32
      %add3A_235 = arith.constant 0 : i32
      %add3A_236 = arith.addi %mul3A_234, %add3A_235 : i32
      %get3A_237 = arith.constant 0 : i32
      %get3A_238 = arith.index_cast %get3A_237 : i32 to index
      %get3A_239 = arith.index_cast %add3A_236 : i32 to index
      %get3A_240 = tpu.vector_load %arg5[%get3A_238, %get3A_239] {strides = array<i32>} : memref<2x8192xf32, #tpu.memory_space<vmem>>, vector<1x16xf32>,
      %get3A_241 = vector.shape_cast %get3A_240 : vector<1x16xf32> to vector<16xf32>
      %add3A_242 = arith.addf %scan3A_229, %get3A_241 : vector<16xf32>
      %add3A_243 = arith.constant 16 : i32
      %add3A_244 = arith.addi %mul3A_234, %add3A_243 : i32
      %get3A_245 = arith.constant 0 : i32
      %get3A_246 = arith.index_cast %get3A_245 : i32 to index
      %get3A_247 = arith.index_cast %add3A_244 : i32 to index
      %get3A_248 = tpu.vector_load %arg5[%get3A_246, %get3A_247] {strides = array<i32>} : memref<2x8192xf32, #tpu.memory_space<vmem>>, vector<1x16xf32>,
      %get3A_249 = vector.shape_cast %get3A_248 : vector<1x16xf32> to vector<16xf32>
      %add3A_250 = arith.addf %scan3A_230, %get3A_249 : vector<16xf32>
      %add3A_251 = arith.constant 32 : i32
      %add3A_252 = arith.addi %mul3A_234, %add3A_251 : i32
      %get3A_253 = arith.constant 0 : i32
      %get3A_254 = arith.index_cast %get3A_253 : i32 to index
      %get3A_255 = arith.index_cast %add3A_252 : i32 to index
      %get3A_256 = tpu.vector_load %arg5[%get3A_254, %get3A_255] {strides = array<i32>} : memref<2x8192xf32, #tpu.memory_space<vmem>>, vector<1x16xf32>,
      %get3A_257 = vector.shape_cast %get3A_256 : vector<1x16xf32> to vector<16xf32>
      %add3A_258 = arith.addf %scan3A_231, %get3A_257 : vector<16xf32>
      %add3A_259 = arith.constant 48 : i32
      %add3A_260 = arith.addi %mul3A_234, %add3A_259 : i32
      %get3A_261 = arith.constant 0 : i32
      %get3A_262 = arith.index_cast %get3A_261 : i32 to index
      %get3A_263 = arith.index_cast %add3A_260 : i32 to index
      %get3A_264 = tpu.vector_load %arg5[%get3A_262, %get3A_263] {strides = array<i32>} : memref<2x8192xf32, #tpu.memory_space<vmem>>, vector<1x16xf32>,
      %get3A_265 = vector.shape_cast %get3A_264 : vector<1x16xf32> to vector<16xf32>
      %add3A_266 = arith.addf %scan3A_232, %get3A_265 : vector<16xf32>
      scf.yield %add3A_242, %add3A_250, %add3A_258, %add3A_266 : vector<16xf32>, vector<16xf32>, vector<16xf32>, vector<16xf32>
    }
    %scan3A_61 = arith.constant 128 : i32
    %add3A_62 = arith.addf %scan3A_60#0, %scan3A_60#1 : vector<16xf32>
    %add3A_63 = arith.addf %scan3A_60#2, %scan3A_60#3 : vector<16xf32>
    %add3A_64 = arith.addf %add3A_62, %add3A_63 : vector<16xf32>
    %mul3A_65 = vector.broadcast %squeeze3A : f32 to vector<16xf32>
    %mul3A_66 = arith.mulf %mul3A_65, %add3A_64 : vector<16xf32>
    %add3A_67 = arith.addf %broadcast_in_dim3A_15, %mul3A_66 : vector<16xf32>
    %add3A_68 = arith.constant 1 : i32
    %add3A_69 = arith.addi %mul3A_2, %add3A_68 : i32
    %add3A_70 = arith.constant 1 : i32
    %add3A_71 = arith.addi %add3A_69, %add3A_70 : i32
    %dma_start3A_72 = arith.constant 0 : i32
    %dma_start3A_73 = arith.constant 0 : i32
    %dma_start3A_74 = tpu.memref_slice %arg5[%dma_start3A_72, %dma_start3A_73] : memref<2x8192xf32, #tpu.memory_space<vmem>> -> memref<1x8192xf32, #tpu.memory_space<vmem>>
    %dma_start3A_75 = tpu.memref_squeeze %dma_start3A_74 : memref<1x8192xf32, #tpu.memory_space<vmem>> -> memref<8192xf32, #tpu.memory_space<vmem>>
    %dma_start3A_76 = arith.constant 0 : i32
    %dma_start3A_77 = tpu.memref_slice %arg2[%add3A_71, %dma_start3A_76] : memref<128x8192xf32, #tpu.memory_space<hbm>> -> memref<1x8192xf32, #tpu.memory_space<hbm>>
    %dma_start3A_78 = tpu.memref_squeeze %dma_start3A_77 : memref<1x8192xf32, #tpu.memory_space<hbm>> -> memref<8192xf32, #tpu.memory_space<hbm>>
    %dma_start3A_79 = arith.constant 0 : i32
    %dma_start3A_80 = tpu.memref_slice %arg5[%dma_start3A_72, %dma_start3A_79] : memref<2x8192xf32, #tpu.memory_space<vmem>> -> memref<1x8192xf32, #tpu.memory_space<vmem>>
    %dma_start3A_81 = tpu.memref_squeeze %dma_start3A_80 : memref<1x8192xf32, #tpu.memory_space<vmem>> -> memref<8192xf32, #tpu.memory_space<vmem>>
    %dma_start3A_82 = arith.constant 0 : i32
    %dma_start3A_83 = tpu.memref_slice %arg2[%add3A_71, %dma_start3A_82] : memref<128x8192xf32, #tpu.memory_space<hbm>> -> memref<1x8192xf32, #tpu.memory_space<hbm>>
    %dma_start3A_84 = tpu.memref_squeeze %dma_start3A_83 : memref<1x8192xf32, #tpu.memory_space<hbm>> -> memref<8192xf32, #tpu.memory_space<hbm>>
    tpu.enqueue_dma source(%dma_start3A_84 : memref<8192xf32, #tpu.memory_space<hbm>>) target(%dma_start3A_81 : memref<8192xf32, #tpu.memory_space<vmem>>) target_semaphore(%arg8 : memref<!tpu.dma_semaphore, #tpu.memory_space<semaphore_mem>>)
    %dma_wait3A_85 = arith.constant 1 : i32
    %dma_wait3A_86 = arith.constant 0 : i32
    %dma_wait3A_87 = tpu.memref_slice %arg5[%dma_wait3A_85, %dma_wait3A_86] : memref<2x8192xf32, #tpu.memory_space<vmem>> -> memref<1x8192xf32, #tpu.memory_space<vmem>>
    %dma_wait3A_88 = tpu.memref_squeeze %dma_wait3A_87 : memref<1x8192xf32, #tpu.memory_space<vmem>> -> memref<8192xf32, #tpu.memory_space<vmem>>
    %dma_wait3A_89 = arith.constant 0 : i32
    %dma_wait3A_90 = tpu.memref_slice %arg2[%add3A_19, %dma_wait3A_89] : memref<128x8192xf32, #tpu.memory_space<hbm>> -> memref<1x8192xf32, #tpu.memory_space<hbm>>
    %dma_wait3A_91 = tpu.memref_squeeze %dma_wait3A_90 : memref<1x8192xf32, #tpu.memory_space<hbm>> -> memref<8192xf32, #tpu.memory_space<hbm>>
    %dma_wait3A_92 = arith.constant 0 : i32
    %dma_wait3A_93 = tpu.memref_slice %arg5[%dma_wait3A_85, %dma_wait3A_92] : memref<2x8192xf32, #tpu.memory_space<vmem>> -> memref<1x8192xf32, #tpu.memory_space<vmem>>
    %dma_wait3A_94 = tpu.memref_squeeze %dma_wait3A_93 : memref<1x8192xf32, #tpu.memory_space<vmem>> -> memref<8192xf32, #tpu.memory_space<vmem>>
    %dma_wait3A_95 = arith.constant 0 : i32
    %dma_wait3A_96 = tpu.memref_slice %arg2[%add3A_19, %dma_wait3A_95] : memref<128x8192xf32, #tpu.memory_space<hbm>> -> memref<1x8192xf32, #tpu.memory_space<hbm>>
    %dma_wait3A_97 = tpu.memref_squeeze %dma_wait3A_96 : memref<1x8192xf32, #tpu.memory_space<hbm>> -> memref<8192xf32, #tpu.memory_space<hbm>>
    tpu.wait_dma2 semaphore(%arg9 : memref<!tpu.dma_semaphore, #tpu.memory_space<semaphore_mem>>) src(%dma_wait3A_97 : memref<8192xf32, #tpu.memory_space<hbm>>) dst(%dma_wait3A_94 : memref<8192xf32, #tpu.memory_space<vmem>>)
    %add3A_98 = arith.constant 1 : i32
    %add3A_99 = arith.addi %mul3A_2, %add3A_98 : i32
    %get3A_100 = arith.index_cast %add3A_99 : i32 to index
    %get3A_101 = tpu.vector_load %arg6[%get3A_100] {strides = array<i32>} : memref<144xf32, #tpu.memory_space<vmem>>, vector<16xf32>,
    %get3A_102 = vector.shape_cast %get3A_101 : vector<16xf32> to vector<16xf32>
    %slice3A_103 = vector.extract_strided_slice %get3A_102 {offsets = [0], sizes = [1], strides = [1]} : vector<16xf32> to vector<1xf32>
    %squeeze3A_104 = vector.extract %slice3A_103[0] : f32 from vector<1xf32>
    %broadcast_in_dim3A_105 = arith.constant 0.000000e+00 : f32
    %broadcast_in_dim3A_106 = vector.broadcast %broadcast_in_dim3A_105 : f32 to vector<16xf32>
    %broadcast_in_dim3A_107 = arith.constant 0.000000e+00 : f32
    %broadcast_in_dim3A_108 = vector.broadcast %broadcast_in_dim3A_107 : f32 to vector<16xf32>
    %broadcast_in_dim3A_109 = arith.constant 0.000000e+00 : f32
    %broadcast_in_dim3A_110 = vector.broadcast %broadcast_in_dim3A_109 : f32 to vector<16xf32>
    %broadcast_in_dim3A_111 = arith.constant 0.000000e+00 : f32
    %broadcast_in_dim3A_112 = vector.broadcast %broadcast_in_dim3A_111 : f32 to vector<16xf32>
    %scan3A_113 = arith.constant 0 : i32
    %scan3A_114 = arith.constant 128 : i32
    %scan3A_115 = arith.addi %scan3A_113, %scan3A_114 : i32
    %scan3A_116 = arith.constant 1 : i32
    %scan3A_117:4 = scf.for %scan3A_228 = %scan3A_113 to %scan3A_115 step %scan3A_116 iter_args(%scan3A_229 = %broadcast_in_dim3A_106, %scan3A_230 = %broadcast_in_dim3A_108, %scan3A_231 = %broadcast_in_dim3A_110, %scan3A_232 = %broadcast_in_dim3A_112) -> (vector<16xf32>, vector<16xf32>, vector<16xf32>, vector<16xf32>)  : i32 {
      %mul3A_233 = arith.constant 64 : i32
      %mul3A_234 = arith.muli %scan3A_228, %mul3A_233 : i32
      %add3A_235 = arith.constant 0 : i32
      %add3A_236 = arith.addi %mul3A_234, %add3A_235 : i32
      %get3A_237 = arith.constant 1 : i32
      %get3A_238 = arith.index_cast %get3A_237 : i32 to index
      %get3A_239 = arith.index_cast %add3A_236 : i32 to index
      %get3A_240 = tpu.vector_load %arg5[%get3A_238, %get3A_239] {strides = array<i32>} : memref<2x8192xf32, #tpu.memory_space<vmem>>, vector<1x16xf32>,
      %get3A_241 = vector.shape_cast %get3A_240 : vector<1x16xf32> to vector<16xf32>
      %add3A_242 = arith.addf %scan3A_229, %get3A_241 : vector<16xf32>
      %add3A_243 = arith.constant 16 : i32
      %add3A_244 = arith.addi %mul3A_234, %add3A_243 : i32
      %get3A_245 = arith.constant 1 : i32
      %get3A_246 = arith.index_cast %get3A_245 : i32 to index
      %get3A_247 = arith.index_cast %add3A_244 : i32 to index
      %get3A_248 = tpu.vector_load %arg5[%get3A_246, %get3A_247] {strides = array<i32>} : memref<2x8192xf32, #tpu.memory_space<vmem>>, vector<1x16xf32>,
      %get3A_249 = vector.shape_cast %get3A_248 : vector<1x16xf32> to vector<16xf32>
      %add3A_250 = arith.addf %scan3A_230, %get3A_249 : vector<16xf32>
      %add3A_251 = arith.constant 32 : i32
      %add3A_252 = arith.addi %mul3A_234, %add3A_251 : i32
      %get3A_253 = arith.constant 1 : i32
      %get3A_254 = arith.index_cast %get3A_253 : i32 to index
      %get3A_255 = arith.index_cast %add3A_252 : i32 to index
      %get3A_256 = tpu.vector_load %arg5[%get3A_254, %get3A_255] {strides = array<i32>} : memref<2x8192xf32, #tpu.memory_space<vmem>>, vector<1x16xf32>,
      %get3A_257 = vector.shape_cast %get3A_256 : vector<1x16xf32> to vector<16xf32>
      %add3A_258 = arith.addf %scan3A_231, %get3A_257 : vector<16xf32>
      %add3A_259 = arith.constant 48 : i32
      %add3A_260 = arith.addi %mul3A_234, %add3A_259 : i32
      %get3A_261 = arith.constant 1 : i32
      %get3A_262 = arith.index_cast %get3A_261 : i32 to index
      %get3A_263 = arith.index_cast %add3A_260 : i32 to index
      %get3A_264 = tpu.vector_load %arg5[%get3A_262, %get3A_263] {strides = array<i32>} : memref<2x8192xf32, #tpu.memory_space<vmem>>, vector<1x16xf32>,
      %get3A_265 = vector.shape_cast %get3A_264 : vector<1x16xf32> to vector<16xf32>
      %add3A_266 = arith.addf %scan3A_232, %get3A_265 : vector<16xf32>
      scf.yield %add3A_242, %add3A_250, %add3A_258, %add3A_266 : vector<16xf32>, vector<16xf32>, vector<16xf32>, vector<16xf32>
    }
    %scan3A_118 = arith.constant 128 : i32
    %add3A_119 = arith.addf %scan3A_117#0, %scan3A_117#1 : vector<16xf32>
    %add3A_120 = arith.addf %scan3A_117#2, %scan3A_117#3 : vector<16xf32>
    %add3A_121 = arith.addf %add3A_119, %add3A_120 : vector<16xf32>
    %mul3A_122 = vector.broadcast %squeeze3A_104 : f32 to vector<16xf32>
    %mul3A_123 = arith.mulf %mul3A_122, %add3A_121 : vector<16xf32>
    %add3A_124 = arith.addf %add3A_67, %mul3A_123 : vector<16xf32>
    %add3A_125 = arith.constant 2 : i32
    %add3A_126 = arith.addi %mul3A_2, %add3A_125 : i32
    %add3A_127 = arith.constant 1 : i32
    %add3A_128 = arith.addi %add3A_126, %add3A_127 : i32
    %dma_start3A_129 = arith.constant 1 : i32
    %dma_start3A_130 = arith.constant 0 : i32
    %dma_start3A_131 = tpu.memref_slice %arg5[%dma_start3A_129, %dma_start3A_130] : memref<2x8192xf32, #tpu.memory_space<vmem>> -> memref<1x8192xf32, #tpu.memory_space<vmem>>
    %dma_start3A_132 = tpu.memref_squeeze %dma_start3A_131 : memref<1x8192xf32, #tpu.memory_space<vmem>> -> memref<8192xf32, #tpu.memory_space<vmem>>
    %dma_start3A_133 = arith.constant 0 : i32
    %dma_start3A_134 = tpu.memref_slice %arg2[%add3A_128, %dma_start3A_133] : memref<128x8192xf32, #tpu.memory_space<hbm>> -> memref<1x8192xf32, #tpu.memory_space<hbm>>
    %dma_start3A_135 = tpu.memref_squeeze %dma_start3A_134 : memref<1x8192xf32, #tpu.memory_space<hbm>> -> memref<8192xf32, #tpu.memory_space<hbm>>
    %dma_start3A_136 = arith.constant 0 : i32
    %dma_start3A_137 = tpu.memref_slice %arg5[%dma_start3A_129, %dma_start3A_136] : memref<2x8192xf32, #tpu.memory_space<vmem>> -> memref<1x8192xf32, #tpu.memory_space<vmem>>
    %dma_start3A_138 = tpu.memref_squeeze %dma_start3A_137 : memref<1x8192xf32, #tpu.memory_space<vmem>> -> memref<8192xf32, #tpu.memory_space<vmem>>
    %dma_start3A_139 = arith.constant 0 : i32
    %dma_start3A_140 = tpu.memref_slice %arg2[%add3A_128, %dma_start3A_139] : memref<128x8192xf32, #tpu.memory_space<hbm>> -> memref<1x8192xf32, #tpu.memory_space<hbm>>
    %dma_start3A_141 = tpu.memref_squeeze %dma_start3A_140 : memref<1x8192xf32, #tpu.memory_space<hbm>> -> memref<8192xf32, #tpu.memory_space<hbm>>
    tpu.enqueue_dma source(%dma_start3A_141 : memref<8192xf32, #tpu.memory_space<hbm>>) target(%dma_start3A_138 : memref<8192xf32, #tpu.memory_space<vmem>>) target_semaphore(%arg9 : memref<!tpu.dma_semaphore, #tpu.memory_space<semaphore_mem>>)
    %dma_wait3A_142 = arith.constant 0 : i32
    %dma_wait3A_143 = arith.constant 0 : i32
    %dma_wait3A_144 = tpu.memref_slice %arg5[%dma_wait3A_142, %dma_wait3A_143] : memref<2x8192xf32, #tpu.memory_space<vmem>> -> memref<1x8192xf32, #tpu.memory_space<vmem>>
    %dma_wait3A_145 = tpu.memref_squeeze %dma_wait3A_144 : memref<1x8192xf32, #tpu.memory_space<vmem>> -> memref<8192xf32, #tpu.memory_space<vmem>>
    %dma_wait3A_146 = arith.constant 0 : i32
    %dma_wait3A_147 = tpu.memref_slice %arg2[%add3A_71, %dma_wait3A_146] : memref<128x8192xf32, #tpu.memory_space<hbm>> -> memref<1x8192xf32, #tpu.memory_space<hbm>>
    %dma_wait3A_148 = tpu.memref_squeeze %dma_wait3A_147 : memref<1x8192xf32, #tpu.memory_space<hbm>> -> memref<8192xf32, #tpu.memory_space<hbm>>
    %dma_wait3A_149 = arith.constant 0 : i32
    %dma_wait3A_150 = tpu.memref_slice %arg5[%dma_wait3A_142, %dma_wait3A_149] : memref<2x8192xf32, #tpu.memory_space<vmem>> -> memref<1x8192xf32, #tpu.memory_space<vmem>>
    %dma_wait3A_151 = tpu.memref_squeeze %dma_wait3A_150 : memref<1x8192xf32, #tpu.memory_space<vmem>> -> memref<8192xf32, #tpu.memory_space<vmem>>
    %dma_wait3A_152 = arith.constant 0 : i32
    %dma_wait3A_153 = tpu.memref_slice %arg2[%add3A_71, %dma_wait3A_152] : memref<128x8192xf32, #tpu.memory_space<hbm>> -> memref<1x8192xf32, #tpu.memory_space<hbm>>
    %dma_wait3A_154 = tpu.memref_squeeze %dma_wait3A_153 : memref<1x8192xf32, #tpu.memory_space<hbm>> -> memref<8192xf32, #tpu.memory_space<hbm>>
    tpu.wait_dma2 semaphore(%arg8 : memref<!tpu.dma_semaphore, #tpu.memory_space<semaphore_mem>>) src(%dma_wait3A_154 : memref<8192xf32, #tpu.memory_space<hbm>>) dst(%dma_wait3A_151 : memref<8192xf32, #tpu.memory_space<vmem>>)
    %add3A_155 = arith.constant 2 : i32
    %add3A_156 = arith.addi %mul3A_2, %add3A_155 : i32
    %get3A_157 = arith.index_cast %add3A_156 : i32 to index
    %get3A_158 = tpu.vector_load %arg6[%get3A_157] {strides = array<i32>} : memref<144xf32, #tpu.memory_space<vmem>>, vector<16xf32>,
    %get3A_159 = vector.shape_cast %get3A_158 : vector<16xf32> to vector<16xf32>
    %slice3A_160 = vector.extract_strided_slice %get3A_159 {offsets = [0], sizes = [1], strides = [1]} : vector<16xf32> to vector<1xf32>
    %squeeze3A_161 = vector.extract %slice3A_160[0] : f32 from vector<1xf32>
    %broadcast_in_dim3A_162 = arith.constant 0.000000e+00 : f32
    %broadcast_in_dim3A_163 = vector.broadcast %broadcast_in_dim3A_162 : f32 to vector<16xf32>
    %broadcast_in_dim3A_164 = arith.constant 0.000000e+00 : f32
    %broadcast_in_dim3A_165 = vector.broadcast %broadcast_in_dim3A_164 : f32 to vector<16xf32>
    %broadcast_in_dim3A_166 = arith.constant 0.000000e+00 : f32
    %broadcast_in_dim3A_167 = vector.broadcast %broadcast_in_dim3A_166 : f32 to vector<16xf32>
    %broadcast_in_dim3A_168 = arith.constant 0.000000e+00 : f32
    %broadcast_in_dim3A_169 = vector.broadcast %broadcast_in_dim3A_168 : f32 to vector<16xf32>
    %scan3A_170 = arith.constant 0 : i32
    %scan3A_171 = arith.constant 128 : i32
    %scan3A_172 = arith.addi %scan3A_170, %scan3A_171 : i32
    %scan3A_173 = arith.constant 1 : i32
    %scan3A_174:4 = scf.for %scan3A_228 = %scan3A_170 to %scan3A_172 step %scan3A_173 iter_args(%scan3A_229 = %broadcast_in_dim3A_163, %scan3A_230 = %broadcast_in_dim3A_165, %scan3A_231 = %broadcast_in_dim3A_167, %scan3A_232 = %broadcast_in_dim3A_169) -> (vector<16xf32>, vector<16xf32>, vector<16xf32>, vector<16xf32>)  : i32 {
      %mul3A_233 = arith.constant 64 : i32
      %mul3A_234 = arith.muli %scan3A_228, %mul3A_233 : i32
      %add3A_235 = arith.constant 0 : i32
      %add3A_236 = arith.addi %mul3A_234, %add3A_235 : i32
      %get3A_237 = arith.constant 0 : i32
      %get3A_238 = arith.index_cast %get3A_237 : i32 to index
      %get3A_239 = arith.index_cast %add3A_236 : i32 to index
      %get3A_240 = tpu.vector_load %arg5[%get3A_238, %get3A_239] {strides = array<i32>} : memref<2x8192xf32, #tpu.memory_space<vmem>>, vector<1x16xf32>,
      %get3A_241 = vector.shape_cast %get3A_240 : vector<1x16xf32> to vector<16xf32>
      %add3A_242 = arith.addf %scan3A_229, %get3A_241 : vector<16xf32>
      %add3A_243 = arith.constant 16 : i32
      %add3A_244 = arith.addi %mul3A_234, %add3A_243 : i32
      %get3A_245 = arith.constant 0 : i32
      %get3A_246 = arith.index_cast %get3A_245 : i32 to index
      %get3A_247 = arith.index_cast %add3A_244 : i32 to index
      %get3A_248 = tpu.vector_load %arg5[%get3A_246, %get3A_247] {strides = array<i32>} : memref<2x8192xf32, #tpu.memory_space<vmem>>, vector<1x16xf32>,
      %get3A_249 = vector.shape_cast %get3A_248 : vector<1x16xf32> to vector<16xf32>
      %add3A_250 = arith.addf %scan3A_230, %get3A_249 : vector<16xf32>
      %add3A_251 = arith.constant 32 : i32
      %add3A_252 = arith.addi %mul3A_234, %add3A_251 : i32
      %get3A_253 = arith.constant 0 : i32
      %get3A_254 = arith.index_cast %get3A_253 : i32 to index
      %get3A_255 = arith.index_cast %add3A_252 : i32 to index
      %get3A_256 = tpu.vector_load %arg5[%get3A_254, %get3A_255] {strides = array<i32>} : memref<2x8192xf32, #tpu.memory_space<vmem>>, vector<1x16xf32>,
      %get3A_257 = vector.shape_cast %get3A_256 : vector<1x16xf32> to vector<16xf32>
      %add3A_258 = arith.addf %scan3A_231, %get3A_257 : vector<16xf32>
      %add3A_259 = arith.constant 48 : i32
      %add3A_260 = arith.addi %mul3A_234, %add3A_259 : i32
      %get3A_261 = arith.constant 0 : i32
      %get3A_262 = arith.index_cast %get3A_261 : i32 to index
      %get3A_263 = arith.index_cast %add3A_260 : i32 to index
      %get3A_264 = tpu.vector_load %arg5[%get3A_262, %get3A_263] {strides = array<i32>} : memref<2x8192xf32, #tpu.memory_space<vmem>>, vector<1x16xf32>,
      %get3A_265 = vector.shape_cast %get3A_264 : vector<1x16xf32> to vector<16xf32>
      %add3A_266 = arith.addf %scan3A_232, %get3A_265 : vector<16xf32>
      scf.yield %add3A_242, %add3A_250, %add3A_258, %add3A_266 : vector<16xf32>, vector<16xf32>, vector<16xf32>, vector<16xf32>
    }
    %scan3A_175 = arith.constant 128 : i32
    %add3A_176 = arith.addf %scan3A_174#0, %scan3A_174#1 : vector<16xf32>
    %add3A_177 = arith.addf %scan3A_174#2, %scan3A_174#3 : vector<16xf32>
    %add3A_178 = arith.addf %add3A_176, %add3A_177 : vector<16xf32>
    %mul3A_179 = vector.broadcast %squeeze3A_161 : f32 to vector<16xf32>
    %mul3A_180 = arith.mulf %mul3A_179, %add3A_178 : vector<16xf32>
    %add3A_181 = arith.addf %add3A_124, %mul3A_180 : vector<16xf32>
    %dma_wait3A_182 = arith.constant 1 : i32
    %dma_wait3A_183 = arith.constant 0 : i32
    %dma_wait3A_184 = tpu.memref_slice %arg5[%dma_wait3A_182, %dma_wait3A_183] : memref<2x8192xf32, #tpu.memory_space<vmem>> -> memref<1x8192xf32, #tpu.memory_space<vmem>>
    %dma_wait3A_185 = tpu.memref_squeeze %dma_wait3A_184 : memref<1x8192xf32, #tpu.memory_space<vmem>> -> memref<8192xf32, #tpu.memory_space<vmem>>
    %dma_wait3A_186 = arith.constant 0 : i32
    %dma_wait3A_187 = tpu.memref_slice %arg2[%add3A_128, %dma_wait3A_186] : memref<128x8192xf32, #tpu.memory_space<hbm>> -> memref<1x8192xf32, #tpu.memory_space<hbm>>
    %dma_wait3A_188 = tpu.memref_squeeze %dma_wait3A_187 : memref<1x8192xf32, #tpu.memory_space<hbm>> -> memref<8192xf32, #tpu.memory_space<hbm>>
    %dma_wait3A_189 = arith.constant 0 : i32
    %dma_wait3A_190 = tpu.memref_slice %arg5[%dma_wait3A_182, %dma_wait3A_189] : memref<2x8192xf32, #tpu.memory_space<vmem>> -> memref<1x8192xf32, #tpu.memory_space<vmem>>
    %dma_wait3A_191 = tpu.memref_squeeze %dma_wait3A_190 : memref<1x8192xf32, #tpu.memory_space<vmem>> -> memref<8192xf32, #tpu.memory_space<vmem>>
    %dma_wait3A_192 = arith.constant 0 : i32
    %dma_wait3A_193 = tpu.memref_slice %arg2[%add3A_128, %dma_wait3A_192] : memref<128x8192xf32, #tpu.memory_space<hbm>> -> memref<1x8192xf32, #tpu.memory_space<hbm>>
    %dma_wait3A_194 = tpu.memref_squeeze %dma_wait3A_193 : memref<1x8192xf32, #tpu.memory_space<hbm>> -> memref<8192xf32, #tpu.memory_space<hbm>>
    tpu.wait_dma2 semaphore(%arg9 : memref<!tpu.dma_semaphore, #tpu.memory_space<semaphore_mem>>) src(%dma_wait3A_194 : memref<8192xf32, #tpu.memory_space<hbm>>) dst(%dma_wait3A_191 : memref<8192xf32, #tpu.memory_space<vmem>>)
    %add3A_195 = arith.constant 3 : i32
    %add3A_196 = arith.addi %mul3A_2, %add3A_195 : i32
    %get3A_197 = arith.index_cast %add3A_196 : i32 to index
    %get3A_198 = tpu.vector_load %arg6[%get3A_197] {strides = array<i32>} : memref<144xf32, #tpu.memory_space<vmem>>, vector<16xf32>,
    %get3A_199 = vector.shape_cast %get3A_198 : vector<16xf32> to vector<16xf32>
    %slice3A_200 = vector.extract_strided_slice %get3A_199 {offsets = [0], sizes = [1], strides = [1]} : vector<16xf32> to vector<1xf32>
    %squeeze3A_201 = vector.extract %slice3A_200[0] : f32 from vector<1xf32>
    %broadcast_in_dim3A_202 = arith.constant 0.000000e+00 : f32
    %broadcast_in_dim3A_203 = vector.broadcast %broadcast_in_dim3A_202 : f32 to vector<16xf32>
    %broadcast_in_dim3A_204 = arith.constant 0.000000e+00 : f32
    %broadcast_in_dim3A_205 = vector.broadcast %broadcast_in_dim3A_204 : f32 to vector<16xf32>
    %broadcast_in_dim3A_206 = arith.constant 0.000000e+00 : f32
    %broadcast_in_dim3A_207 = vector.broadcast %broadcast_in_dim3A_206 : f32 to vector<16xf32>
    %broadcast_in_dim3A_208 = arith.constant 0.000000e+00 : f32
    %broadcast_in_dim3A_209 = vector.broadcast %broadcast_in_dim3A_208 : f32 to vector<16xf32>
    %scan3A_210 = arith.constant 0 : i32
    %scan3A_211 = arith.constant 128 : i32
    %scan3A_212 = arith.addi %scan3A_210, %scan3A_211 : i32
    %scan3A_213 = arith.constant 1 : i32
    %scan3A_214:4 = scf.for %scan3A_228 = %scan3A_210 to %scan3A_212 step %scan3A_213 iter_args(%scan3A_229 = %broadcast_in_dim3A_203, %scan3A_230 = %broadcast_in_dim3A_205, %scan3A_231 = %broadcast_in_dim3A_207, %scan3A_232 = %broadcast_in_dim3A_209) -> (vector<16xf32>, vector<16xf32>, vector<16xf32>, vector<16xf32>)  : i32 {
      %mul3A_233 = arith.constant 64 : i32
      %mul3A_234 = arith.muli %scan3A_228, %mul3A_233 : i32
      %add3A_235 = arith.constant 0 : i32
      %add3A_236 = arith.addi %mul3A_234, %add3A_235 : i32
      %get3A_237 = arith.constant 1 : i32
      %get3A_238 = arith.index_cast %get3A_237 : i32 to index
      %get3A_239 = arith.index_cast %add3A_236 : i32 to index
      %get3A_240 = tpu.vector_load %arg5[%get3A_238, %get3A_239] {strides = array<i32>} : memref<2x8192xf32, #tpu.memory_space<vmem>>, vector<1x16xf32>,
      %get3A_241 = vector.shape_cast %get3A_240 : vector<1x16xf32> to vector<16xf32>
      %add3A_242 = arith.addf %scan3A_229, %get3A_241 : vector<16xf32>
      %add3A_243 = arith.constant 16 : i32
      %add3A_244 = arith.addi %mul3A_234, %add3A_243 : i32
      %get3A_245 = arith.constant 1 : i32
      %get3A_246 = arith.index_cast %get3A_245 : i32 to index
      %get3A_247 = arith.index_cast %add3A_244 : i32 to index
      %get3A_248 = tpu.vector_load %arg5[%get3A_246, %get3A_247] {strides = array<i32>} : memref<2x8192xf32, #tpu.memory_space<vmem>>, vector<1x16xf32>,
      %get3A_249 = vector.shape_cast %get3A_248 : vector<1x16xf32> to vector<16xf32>
      %add3A_250 = arith.addf %scan3A_230, %get3A_249 : vector<16xf32>
      %add3A_251 = arith.constant 32 : i32
      %add3A_252 = arith.addi %mul3A_234, %add3A_251 : i32
      %get3A_253 = arith.constant 1 : i32
      %get3A_254 = arith.index_cast %get3A_253 : i32 to index
      %get3A_255 = arith.index_cast %add3A_252 : i32 to index
      %get3A_256 = tpu.vector_load %arg5[%get3A_254, %get3A_255] {strides = array<i32>} : memref<2x8192xf32, #tpu.memory_space<vmem>>, vector<1x16xf32>,
      %get3A_257 = vector.shape_cast %get3A_256 : vector<1x16xf32> to vector<16xf32>
      %add3A_258 = arith.addf %scan3A_231, %get3A_257 : vector<16xf32>
      %add3A_259 = arith.constant 48 : i32
      %add3A_260 = arith.addi %mul3A_234, %add3A_259 : i32
      %get3A_261 = arith.constant 1 : i32
      %get3A_262 = arith.index_cast %get3A_261 : i32 to index
      %get3A_263 = arith.index_cast %add3A_260 : i32 to index
      %get3A_264 = tpu.vector_load %arg5[%get3A_262, %get3A_263] {strides = array<i32>} : memref<2x8192xf32, #tpu.memory_space<vmem>>, vector<1x16xf32>,
      %get3A_265 = vector.shape_cast %get3A_264 : vector<1x16xf32> to vector<16xf32>
      %add3A_266 = arith.addf %scan3A_232, %get3A_265 : vector<16xf32>
      scf.yield %add3A_242, %add3A_250, %add3A_258, %add3A_266 : vector<16xf32>, vector<16xf32>, vector<16xf32>, vector<16xf32>
    }
    %scan3A_215 = arith.constant 128 : i32
    %add3A_216 = arith.addf %scan3A_214#0, %scan3A_214#1 : vector<16xf32>
    %add3A_217 = arith.addf %scan3A_214#2, %scan3A_214#3 : vector<16xf32>
    %add3A_218 = arith.addf %add3A_216, %add3A_217 : vector<16xf32>
    %mul3A_219 = vector.broadcast %squeeze3A_201 : f32 to vector<16xf32>
    %mul3A_220 = arith.mulf %mul3A_219, %add3A_218 : vector<16xf32>
    %add3A_221 = arith.addf %add3A_181, %mul3A_220 : vector<16xf32>
    %mul3A_222 = arith.constant -9.53674316E-7 : f32
    %mul3A_223 = vector.broadcast %mul3A_222 : f32 to vector<16xf32>
    %mul3A_224 = arith.mulf %add3A_221, %mul3A_223 : vector<16xf32>
    %swap3A = arith.constant 0 : index
    %swap3A_225 = tpu.vector_load %arg7[%swap3A] {strides = array<i32>} : memref<16xf32, #tpu.memory_space<vmem>>, vector<16xf32>,
    %swap3A_226 = vector.shape_cast %swap3A_225 : vector<16xf32> to vector<16xf32>
    %swap3A_227 = vector.shape_cast %mul3A_224 : vector<16xf32> to vector<16xf32>
    tpu.vector_store %arg7[%swap3A], %swap3A_227 {strides = array<i32>} : memref<16xf32, #tpu.memory_space<vmem>>, vector<16xf32>,
    "tpu.region"() ({
      %run_scoped3A = tpu.sem_alloc : memref<!tpu.dma_semaphore, #tpu.memory_space<semaphore_mem>>
      %dma_start3A_228 = arith.constant 0 : i32
      %dma_start3A_229 = tpu.memref_slice %arg4[%add3A, %dma_start3A_228] : memref<32x16xf32, #tpu.memory_space<hbm>> -> memref<1x16xf32, #tpu.memory_space<hbm>>
      %dma_start3A_230 = tpu.memref_squeeze %dma_start3A_229 : memref<1x16xf32, #tpu.memory_space<hbm>> -> memref<16xf32, #tpu.memory_space<hbm>>
      %dma_start3A_231 = arith.constant 0 : i32
      %dma_start3A_232 = tpu.memref_slice %arg4[%add3A, %dma_start3A_231] : memref<32x16xf32, #tpu.memory_space<hbm>> -> memref<1x16xf32, #tpu.memory_space<hbm>>
      %dma_start3A_233 = tpu.memref_squeeze %dma_start3A_232 : memref<1x16xf32, #tpu.memory_space<hbm>> -> memref<16xf32, #tpu.memory_space<hbm>>
      tpu.enqueue_dma source(%arg7 : memref<16xf32, #tpu.memory_space<vmem>>) target(%dma_start3A_233 : memref<16xf32, #tpu.memory_space<hbm>>) target_semaphore(%run_scoped3A : memref<!tpu.dma_semaphore, #tpu.memory_space<semaphore_mem>>)
      %dma_wait3A_234 = arith.constant 0 : i32
      %dma_wait3A_235 = tpu.memref_slice %arg4[%add3A, %dma_wait3A_234] : memref<32x16xf32, #tpu.memory_space<hbm>> -> memref<1x16xf32, #tpu.memory_space<hbm>>
      %dma_wait3A_236 = tpu.memref_squeeze %dma_wait3A_235 : memref<1x16xf32, #tpu.memory_space<hbm>> -> memref<16xf32, #tpu.memory_space<hbm>>
      %dma_wait3A_237 = arith.constant 0 : i32
      %dma_wait3A_238 = tpu.memref_slice %arg4[%add3A, %dma_wait3A_237] : memref<32x16xf32, #tpu.memory_space<hbm>> -> memref<1x16xf32, #tpu.memory_space<hbm>>
      %dma_wait3A_239 = tpu.memref_squeeze %dma_wait3A_238 : memref<1x16xf32, #tpu.memory_space<hbm>> -> memref<16xf32, #tpu.memory_space<hbm>>
      tpu.wait_dma2 semaphore(%run_scoped3A : memref<!tpu.dma_semaphore, #tpu.memory_space<semaphore_mem>>) src(%arg7 : memref<16xf32, #tpu.memory_space<vmem>>) dst(%dma_wait3A_239 : memref<16xf32, #tpu.memory_space<hbm>>)
      tpu.yield
    }) : () -> ()
    return
  }
}

</mosaic_0001>

<sc_bundles>
// kernel: kernel.3.cloned.1.call-start
scs
__scs_entry_jumppad:
0x0: {  	(pc) =	sbr.rel $0x88, $3  }
0x1: {  	(tag) =	ssettag $0x0;
	lr =	simm.s32 $0x1  }
0x2: {  	[smem:$0x3F9F] =	sst lr;
	_ =	strace $0xD0000000  }
0x3: {  	_ = 	snop  }
0x4: {  	_ = 	snop  }
0x5: {  	_ = 	snop  }
0x6: {  	_ = 	snop  }
0x7: {  	_ = 	snop  }
__scs_overlays_trampoline_lowered:
0x8: {  	[smem:$0x3FAE] =	sst s0  }
0x9: {  	[smem:$0x3FAF] =	sst s1  }
0xa: {  	[smem:$0x3FB0] =	sst s2  }
0xb: {  	[smem:$0x3FB1] =	sst s3  }
0xc: {  	[smem:$0x3FB2] =	sst s4  }
0xd: {  	[smem:$0x3FB3] =	sst s5  }
0xe: {  	[smem:$0x3FB4] =	sst s6  }
0xf: {  	[smem:$0x3FB5] =	sst s7  }
0x10: {  	[smem:$0x3FB6] =	sst s8  }
0x11: {  	[smem:$0x3FB7] =	sst s9;
	s0 =	simm.s32 @!p0 $0x0  }
0x12: {  	s1 =	sld [smem:$0x3F9D];
	s0 =	simm.s32 @p0 $0x1  }
0x13: {  	[smem:$0x3FB8] =	sst s0;
	s0 =	simm.s32 @!p1 $0x0  }
0x14: {  	s2 =	sld [smem:$0x3F9C];
	s0 =	simm.s32 @p1 $0x1  }
0x15: {  	[smem:$0x3FB9] =	sst s0;
	s0 =	simm.s32 @!p2 $0x0  }
0x16: {  	s3 =	sld [smem:$0x3FDB];
	s0 =	simm.s32 @p2 $0x1  }
0x17: {  	s4 =	simm.s32 $0x1BF5;
	[smem:$0x3FBB] =	sst s0  }
0x18: {  	s0 =	sld [smem:$0x3F9E];
	_ =	swait.ge [sflag:s4], $0x0  }
0x19: {  	s7 =	sld [smem:$0x3F9F]  }
0x1a: {  	s8 =	sadd.s32 $0xFFFFE003, lr  }
0x1b: {  	s9 =	sadd.s32 $0xFFFFFEF7, lr;
	s5 =	simm.s32 $0xFFFFFFFF;
	p2 =	slt.u32 s8, $0xFFFFF086  }
0x1c: {  	p1 =	slt.u32 s9, $0xF7A;
	s5 =	simm.s32 @!p2 $0x0  }
0x1d: {  	s5 =	simm.s32 @p1 $0x1;
	p0 =	seq.s32 s7, s2  }
0x1e: {  	s7 =	smul.u32 @!p0 $0xF7A, s2;
	p2 =	seq.s32 @!p0 s5, $0x0  }
0x1f: {  	s9 =	smul.u32 $0xF7A, s1;
	s8 =	simm.s32 @!p0 $0x1BF5;
	p2 =	por !p2, p0  }
0x20: {  	[sflag:s8] =	ssyncset.s32 @!p0 $0xFFFFF086;
	s6 =	sadd.s32 @!p0 s3, s7;
	s7 =	simm.s32 @!p0 $0x108  }
0x21: {  	s3 =	sadd.s32 s3, s9;
	s6 =	sadd.s32 @!p0 $0x88, s6;
	s7 =	simm.s32 @p2 $0x1082  }
0x22: {  	[simem:s7], [sflag:s8] =	dma.local @!p0 [hbm:s6], $0xF7A  }
0x23: {  	s9 =	sor.u32 $0xD0000000, s2;
	s6 =	simm.s32 $0x108;
	_ =	swait.ge @!p0 [sflag:s8], $0x0  }
0x24: {  	s3 =	sadd.s32 $0x88, s3;
	s6 =	simm.s32 @!p1 $0x1082;
	[sflag:s4] =	ssyncset.s32 $0xFFFFF086  }
0x25: {  	[simem:s6], [sflag:s4] =	dma.local [hbm:s3], $0xF7A  }
0x26: {  	[smem:$0x3F9F] =	sst s1;
	(tag) =	ssettag s2;
	_ =	strace s9  }
0x27: {  	s1 =	sld [smem:$0x3FAF]  }
0x28: {  	s2 =	sld [smem:$0x3FB0]  }
0x29: {  	s4 =	sld [smem:$0x3FB2]  }
0x2a: {  	p0 =	seq.s32 s5, $0x0;
	s5 =	sld [smem:$0x3FB3]  }
0x2b: {  	s6 =	sld [smem:$0x3FB4]  }
0x2c: {  	s7 =	sld [smem:$0x3FB5]  }
0x2d: {  	s3 =	simm.s32 $0x108;
	s8 =	sld [smem:$0x3FB6]  }
0x2e: {  	s3 =	simm.s32 @!p0 $0x1082;
	s9 =	sld [smem:$0x3FB7]  }
0x2f: {  	lr =	sadd.s32 s0, s3;
	s0 =	sld [smem:$0x3FAE]  }
0x30: {  	s3 =	sld [smem:$0x3FB1]  }
0x31: {  	[smem:$0x3FBA] =	sst s10  }
0x32: {  	s10 =	sld [smem:$0x3FB8];
	_ =	sdelay $0x3  }
0x33: {  	p0 =	seq.s32 s10, $0x1;
	s10 =	sld [smem:$0x3FBA];
	_ =	sdelay $0x3  }
0x34: {  	[smem:$0x3FBA] =	sst s10  }
0x35: {  	s10 =	sld [smem:$0x3FB9];
	_ =	sdelay $0x3  }
0x36: {  	p1 =	seq.s32 s10, $0x1;
	s10 =	sld [smem:$0x3FBA];
	_ =	sdelay $0x3  }
0x37: {  	[smem:$0x3FBA] =	sst s10  }
0x38: {  	s10 =	sld [smem:$0x3FBB]  }
0x39: {  	_ = 	snop;
	(pc) =	sbr.ind lr, $3  }
0x3a: {  	_ = 	snop  }
0x3b: {  	_ = 	snop  }
0x3c: {  	p2 =	seq.s32 s10, $0x1;
	s10 =	sld [smem:$0x3FBA]  }
0x3d: {  	_ =	shalt  }
0x3e: {  	_ =	shalt  }
0x3f: {  	_ =	shalt  }
0x40: {  	_ =	shalt  }
0x41: {  	_ =	shalt  }
0x42: {  	_ =	shalt  }
0x43: {  	_ =	shalt  }
0x44: {  	_ =	shalt  }
0x45: {  	_ =	shalt  }
0x46: {  	_ =	shalt  }
0x47: {  	_ =	shalt  }
0x48: {  	_ =	shalt  }
0x49: {  	_ =	shalt  }
0x4a: {  	_ =	shalt  }
0x4b: {  	_ =	shalt  }
0x4c: {  	_ =	shalt  }
0x4d: {  	_ =	shalt  }
0x4e: {  	_ =	shalt  }
0x4f: {  	_ =	shalt  }
0x50: {  	_ =	shalt  }
0x51: {  	_ =	shalt  }
0x52: {  	_ =	shalt  }
0x53: {  	_ =	shalt  }
0x54: {  	_ =	shalt  }
0x55: {  	_ =	shalt  }
0x56: {  	_ =	shalt  }
0x57: {  	_ =	shalt  }
0x58: {  	_ =	shalt  }
0x59: {  	_ =	shalt  }
0x5a: {  	_ =	shalt  }
0x5b: {  	_ =	shalt  }
0x5c: {  	_ =	shalt  }
0x5d: {  	_ =	shalt  }
0x5e: {  	_ =	shalt  }
0x5f: {  	_ =	shalt  }
0x60: {  	_ =	shalt  }
0x61: {  	_ =	shalt  }
0x62: {  	_ =	shalt  }
0x63: {  	_ =	shalt  }
0x64: {  	_ =	shalt  }
0x65: {  	_ =	shalt  }
0x66: {  	_ =	shalt  }
0x67: {  	_ =	shalt  }
0x68: {  	_ =	shalt  }
0x69: {  	_ =	shalt  }
0x6a: {  	_ =	shalt  }
0x6b: {  	_ =	shalt  }
0x6c: {  	_ =	shalt  }
0x6d: {  	_ =	shalt  }
0x6e: {  	_ =	shalt  }
0x6f: {  	_ =	shalt  }
0x70: {  	_ =	shalt  }
0x71: {  	_ =	shalt  }
0x72: {  	_ =	shalt  }
0x73: {  	_ =	shalt  }
0x74: {  	_ =	shalt  }
0x75: {  	_ =	shalt  }
0x76: {  	_ =	shalt  }
0x77: {  	_ =	shalt  }
0x78: {  	_ =	shalt  }
0x79: {  	_ =	shalt  }
0x7a: {  	_ =	shalt  }
0x7b: {  	_ =	shalt  }
0x7c: {  	_ =	shalt  }
0x7d: {  	_ =	shalt  }
0x7e: {  	_ =	shalt  }
0x7f: {  	_ =	shalt  }
0x80: {  	_ =	shalt  }
0x81: {  	_ =	shalt  }
0x82: {  	_ =	shalt  }
0x83: {  	_ =	shalt  }
0x84: {  	_ =	shalt  }
0x85: {  	_ =	shalt  }
0x86: {  	_ =	shalt  }
0x87: {  	_ =	shalt  }
.Lfunc_end0:
.L_simem_size_0:
called_computation_lowered:
.L_overlay_start_0:
0x88: {  	s2 =	sld [smem:$0x3FD9]  }
0x89: {  	s3 =	sld [smem:$0x3FFE];
	_ =	sdelay $0x1  }
0x8a: {  	s1 =	srdreg.scid  }
0x8b: {  	s0 =	sand.u32 $0x1, s1  }
0x8c: {  	s17 =	sshll.u32 s0, $0xA;
	s2 =	sadd.s32 s3, s2  }
0x8d: {  	s2 =	sadd.s32 s2, s17  }
0x8e: {  	[smem:$0x3FC6] =	sst s2  }
0x8f: {  	_ = 	snop  }
0x90: {  	s2 =	sld [smem:$0x3FC9]  }
0x91: {  	s18 =	sld [smem:$0x3FC8];
	(tm) =	ssettm $0x1  }
0x92: {  	s4 =	sld [smem:$0x3FFB];
	_ =	sdelay $0x3  }
0x93: {  	_ =	strace s4  }
0x94: {  	s4 =	sld [smem:$0x3FFC];
	_ =	sdelay $0x3  }
0x95: {  	_ =	strace s4  }
0x96: {  	s4 =	sld [smem:$0x3FFD];
	_ =	sdelay $0x3  }
0x97: {  	_ =	strace s4  }
0x98: {  	_ =	strace $0x8FFFFFFF  }
0x99: {  	s19 =	sld [smem:$0x3FDB];
	_ =	sdelay $0x1  }
0x9a: {  	s5 =	simm.s32 $_scs_section_size  }
0x9b: {  	s6 =	simm.s32 $_size__tile_overlayer_lowered;
	s7 =	simm.s32 $_tile_overlayer_lowered  }
0x9c: {  	s22 =	simm.s32 $0x1BFF;
	s21 =	sshll.u32 s7, $0x1;
	s4 =	sadd.s32 s5, s19  }
0x9d: {  	s8 =	simm.s32 $0x0;
	s20 =	sshll.u32 s6, $0x1;
	s6 =	sadd.s32 s21, s4  }
0x9e: {  	[timem:s8], [sflag:s22] =	dma.local [hbm:s6], s20  }
0x9f: {  	_ =	swait.ge [sflag:s22], s20  }
0xa0: {  	s5 =	ssub.s32 $0x0, s20;
	[sflag:s22] =	ssyncset.done $0x0  }
0xa1: {  	[sflag:s22] =	ssyncadd.s32 s5;
	_ =	sdelay $0x1  }
0xa2: {  	s23 =	simm.s32 $0x1B8B  }
0xa3: {  	_ =	swait.ge [sflag:s23], $0x1  }
0xa4: {  	[sflag:s23] =	ssyncset.done $0x0  }
0xa5: {  	s25 =	simm.s32 $0x1B8E;
	s24 =	sld [smem:$0x3FFE];
	[sflag:s23] =	ssyncadd.s32 $0xFFFFFFFF  }
0xa6: {  	s26 =	simm.s32 $execute0_lowered;
	[smem:$0x3FD2] =	sst s25  }
0xa7: {  	s6 =	sshll.u32 s26, $0x1;
	_ =	strace $0x80000046;
	[dreg:$0x1] =	wrdreg $0xFFFFFFFF  }
0xa8: {  	s28 =	simm.s32 $_size_execute0_lowered;
	s4 =	sadd.s32 s4, s6;
	[dreg:$0x0] =	wrdreg $0x0  }
0xa9: {  	s6 =	sshll.u32 s28, $0x1;
	[dreg:$0x2] =	wrdreg s4  }
0xaa: {  	[dreg:$0x3] =	wrdreg s6  }
0xab: {  	[dreg:$0x4] =	wrdreg $0xC0  }
0xac: {  	_ =	task [dreg:s8], $0x5FFFF  }
0xad: {  	[dreg:$0x1] =	wrdreg $0xFFFFFFFF  }
0xae: {  	[dreg:$0x0] =	wrdreg $0x60  }
0xaf: {  	[dreg:$0x2] =	wrdreg s2  }
0xb0: {  	[dreg:$0x3] =	wrdreg s18  }
0xb1: {  	[dreg:$0x4] =	wrdreg s24  }
0xb2: {  	[dreg:$0x5] =	wrdreg $0x9  }
0xb3: {  	_ =	task.clear_ibuf [dreg:s8], $0x6FFFF;
	_ =	strace $0x90000046  }
0xb4: {  	s29 =	simm.s32 $0x9;
	_ =	strace $0x80000048  }
0xb5: {  	_ =	swait.ge [sflag:s29], $0x1  }
0xb6: {  	[sflag:s29] =	ssyncadd.s32 $0xFFFFFFFF  }
0xb7: {  	_ =	strace $0x90000048  }
0xb8: {  	_ =	sfence  }
0xb9: {  	s30 =	sld [smem:$0x0];
	_ =	sdelay $0x2  }
0xba: {  	s31 =	sshll.u32 s1, $0xD;
	s1 =	sshrl.u32 s1, $0x2  }
0xbb: {  	s3 =	sand.u32 $0x4000, s31;
	s1 =	sadd.s32 s1, s30  }
0xbc: {  	s0 =	sor.u32 s3, s0;
	s1 =	sshll.u32 s1, $0x11  }
0xbd: {  	s0 =	sor.u32 s1, s0  }
0xbe: {  	s0 =	sadd.s32 $0x8F2B, s0  }
0xbf: {  	[sflag:s0] =	ssyncadd.remote.s32 $0x1  }
0xc0: {  	_ =	sfence.sel $0xFFFF  }
0xc1: {  	[dreg:$0x0] =	wrdreg $0xFFFFFFFF;
	(pc) =	sbr.abs _section_cstart, $3  }
0xc2: {  	[dreg:$0x1] =	wrdreg $0xFFFFFFFF  }
0xc3: {  	_ =	task.clear_ibuf [dreg:s8], $0x2FFFF;
	_ =	strace $0x9FFFFFFF  }
0xc4: {  	(tm) =	ssettm $0x7FFFFFFF  }
0xc5: {  	_ =	shalt  }
tec
execute0_lowered:
.L_overlay_start_1:
0x0: {  	(tag) =	ssettag $0x1  }
0x1: {  	s9 =	rddreg [dreg:$0x0]  }
0x2: {  	s2 =	rddreg [dreg:$0x1]  }
0x3: {  	s11 =	rddreg [dreg:$0x2];
	s3 =	srdreg.scid  }
0x4: {  	s0 =	rddreg [dreg:$0x3];
	s1 =	stileid.u32;
	s15 =	simm.s32 $0x1  }
0x5: {  	s16 =	simm.s32 $0x2;
	s17 =	simm.s32 $0x4100;
	s18 =	simm.s32 $0x0  }
0x6: {  	s7 =	sand.u32 $0x1, s3;
	s3 =	simm.s32 $0x0;
	s5 =	sshll.u32 s1, $0x1  }
0x7: {  	s8 =	sshll.u32 s1, $0x10;
	s4 =	ssub.s32 $0x2, s7;
	[smem:$0x7FF] =	sst s3  }
0x8: {  	s10 =	sor.u32 s7, s5;
	s7 =	sshll.u32 s7, $0x9;
	s6 =	sshrl.u32 s4, $0x1  }
0x9: {  	_ =	strace $0x80000047;
	s12 =	ssub.s32 s4, s6;
	s4 =	sshll.u32 s10, $0x2  }
0xa: {  	s7 =	sor.u32 s7, s8;
	s31 =	sshll.u32 s10, $0x4;
	s5 =	sor.u32 $0x1, s4  }
0xb: {  	s7 =	sshrl.u32 s7, $0x3;
	s6 =	sor.u32 $0x2, s4;
	s13 =	sshll.u32 s5, $0x7  }
0xc: {  	s11 =	sadd.s32 s11, s31;
	s14 =	sshll.u32 s6, $0x7;
	s13 =	sand.u32 $0x280, s13  }
0xd: {  	s7 =	sadd.s32 s9, s7;
	s14 =	sand.u32 $0x300, s14;
	s13 =	sor.u32 s8, s13  }
0xe: {  	s12 =	smax.u32 s12, $0x1;
	s8 =	sor.u32 s8, s14;
	s13 =	sshrl.u32 s13, $0x3  }
0xf: {  	s10 =	sadd.s32 $0x30, s7;
	s14 =	sshrl.u32 s8, $0x3;
	s8 =	sadd.s32 s9, s13  }
0x10: {  	s9 =	sadd.s32 s9, s14;
	s13 =	simm.s32 $0x4000;
	s14 =	simm.s32 $0x3  }
.LBB2_1:
0x11: {  	[tilespmem:s13], [sflag:$0x3] =	stream.linear.gather [hbm4b:s2+s3], $0x80, $0x38;
	[tilespmem:$0x4180] =	vst v63  }
0x12: {  	_ =	swait.ge [sflag:s14], $0x80  }
0x13: {  	s19 =	simm.s32 $0x80;
	s22 =	sadd.s32 $0x0, s7;
	[sflag:s14] =	ssyncset.done $0x0  }
0x14: {  	s20 =	simm.s32 $0x100;
	s21 =	simm.s32 $0x0;
	[sflag:s14] =	ssyncadd.s32 $0xFFFFFF80  }
.LBB2_2:
0x15: {  	[tilespmem:s21], [sflag:$0x1] =	stream.linear.gather [hbm4b:s22+s3], $0x80, $0x38;
	[tilespmem:$0x4180] =	vst v63  }
0x16: {  	s22 =	smov.u32 s19;
	s21 =	smov.u32 s20;
	p0 =	sne.s32 s19, $0x1F80  }
.Ltmp0:
0x17: {  	s19 =	sadd.s32 $0x80, s19;
	(pc) =	sbr.rel @p0 .LBB2_2-.Ltmp0, $2  }
0x18: {  	_ =	sdelay $0x2  }
0x19: {  	s20 =	sadd.s32 $0x100, s20;
	s22 =	sadd.s32 s22, s7  }
0x1a: {  	[tilespmem:s21], [sflag:$0x1] =	stream.linear.gather [hbm4b:s22+s3], $0x80, $0x38;
	[tilespmem:$0x4180] =	vst v63  }
0x1b: {  	s19 =	simm.s32 $0x80  }
0x1c: {  	s20 =	simm.s32 $0x80;
	s22 =	sadd.s32 $0x0, s8;
	s21 =	simm.s32 $0x180  }
.LBB2_4:
0x1d: {  	[tilespmem:s19], [sflag:$0x2] =	stream.linear.gather [hbm4b:s22+s3], $0x80, $0x38;
	[tilespmem:$0x4180] =	vst v63  }
0x1e: {  	s22 =	smov.u32 s20;
	s19 =	smov.u32 s21;
	p0 =	sne.s32 s20, $0x1F80  }
.Ltmp1:
0x1f: {  	s20 =	sadd.s32 $0x80, s20;
	(pc) =	sbr.rel @p0 .LBB2_4-.Ltmp1, $2  }
0x20: {  	_ =	sdelay $0x2  }
0x21: {  	s21 =	sadd.s32 $0x100, s21;
	s22 =	sadd.s32 s22, s8  }
0x22: {  	[tilespmem:s19], [sflag:$0x2] =	stream.linear.gather [hbm4b:s22+s3], $0x80, $0x38;
	[tilespmem:$0x4180] =	vst v63  }
0x23: {  	_ =	swait.ge [sflag:s15], $0x2000  }
0x24: {  	s19 =	simm.s32 $0x0;
	[sflag:s15] =	ssyncset.done $0x0  }
0x25: {  	s20 =	sand.u32 $0x40, s19;
	s21 =	sand.u32 $0x3F00, s19;
	[sflag:s15] =	ssyncadd.s32 $0xFFFFE000  }
0x26: {  	s21 =	sor.u32 s20, s21;
	v0 =	vld [tilespmem:s4+$0x4000]  }
0x27: {  	v2 =	vld [tilespmem:s21+$0x30]  }
0x28: {  	v1 =	vimm.f32 $0.0e+00;
	v3 =	vld [tilespmem:s21+$0x0]  }
0x29: {  	v7 =	vimm.f32 $0.0e+00;
	v4 =	vimm.f32 $0.0e+00;
	v6 =	vimm.f32 $0.0e+00;
	s20 =	simm.s32 $0x40;
	v5 =	vld [tilespmem:s21+$0x10]  }
.LBB2_6:
0x2a: {  	s22 =	sand.u32 $0x40, s20;
	v8 =	vld [tilespmem:s21+$0x20];
	s19 =	sadd.s32 $0x80, s19;
	p0 =	sne.s32 s20, $0x1FC0  }
.Ltmp2:
0x2b: {  	s20 =	sadd.s32 $0x40, s20;
	s21 =	sand.u32 $0x3F00, s19;
	(pc) =	sbr.rel @p0 .LBB2_6-.Ltmp2, $4  }
0x2c: {  	s21 =	sor.u32 s22, s21;
	v1 =	vadd.f32 v2, v1  }
0x2d: {  	v2 =	vld [tilespmem:s21+$0x30];
	v7 =	vadd.f32 v3, v7  }
0x2e: {  	v3 =	vld [tilespmem:s21+$0x0];
	v4 =	vadd.f32 v5, v4  }
0x2f: {  	v5 =	vld [tilespmem:s21+$0x10];
	v6 =	vadd.f32 v8, v6  }
0x30: {  	v8 =	vld [tilespmem:s21+$0x20];
	_ =	sdelay $0x3  }
0x31: {  	s19 =	simm.s32 $0x0;
	v1 =	vadd.f32 v2, v1;
	v2 =	vadd.f32 v3, v7  }
0x32: {  	s20 =	simm.s32 $0x80;
	s22 =	sadd.s32 $0x0, s9;
	s21 =	simm.s32 $0x100;
	v3 =	vadd.f32 v5, v4;
	v4 =	vadd.f32 v8, v6  }
.LBB2_8:
0x33: {  	[tilespmem:s19], [sflag:$0x1] =	stream.linear.gather [hbm4b:s22+s3], $0x80, $0x38;
	[tilespmem:$0x4180] =	vst v63  }
0x34: {  	s22 =	smov.u32 s20;
	s19 =	smov.u32 s21;
	p0 =	sne.s32 s20, $0x1F80  }
.Ltmp3:
0x35: {  	s20 =	sadd.s32 $0x80, s20;
	(pc) =	sbr.rel @p0 .LBB2_8-.Ltmp3, $2  }
0x36: {  	_ =	sdelay $0x2  }
0x37: {  	s21 =	sadd.s32 $0x100, s21;
	s22 =	sadd.s32 s22, s9  }
0x38: {  	[tilespmem:s19], [sflag:$0x1] =	stream.linear.gather [hbm4b:s22+s3], $0x80, $0x38;
	[tilespmem:$0x4180] =	vst v63  }
0x39: {  	p0 =	por $0x0, $0x0;
	s19 =	simm.s32 $0x1  }
0x3a: {  	s19 =	simm.s32 @!p0 $0x0  }
0x3b: {  	_ =	swait.ge [sflag:s16], $0x2000;
	s19 =	sshll.u32 s19, $0x6  }
0x3c: {  	[sflag:s16] =	ssyncset.done $0x0;
	s19 =	sadd.s32 $0x0, s19  }
0x3d: {  	[sflag:s16] =	ssyncadd.s32 $0xFFFFE000;
	s20 =	sor.u32 $0xB0, s19  }
0x3e: {  	s21 =	sor.u32 $0x80, s19;
	v8 =	vld [tilespmem:s20+$0x0]  }
0x3f: {  	p0 =	por !p0, !p0;
	s28 =	sor.u32 $0x90, s19;
	v9 =	vld [tilespmem:s21+$0x0];
	s21 =	simm.s32 $0x1  }
0x40: {  	v11 =	vld [tilespmem:s28+$0x0];
	s21 =	simm.s32 @!p0 $0x0  }
0x41: {  	s19 =	sor.u32 $0xA0, s19;
	s29 =	sshll.u32 s21, $0x6  }
0x42: {  	v7 =	vld [tilespmem:s19+$0x0];
	s30 =	sadd.s32 $0x80, s29  }
0x43: {  	v6 =	vimm.f32 $0.0e+00;
	v5 =	vld [tilespmem:s5+$0x4000];
	s31 =	sor.u32 $0xB0, s30  }
0x44: {  	s19 =	simm.s32 $0x80;
	s20 =	simm.s32 $0x80;
	s23 =	sor.u32 $0x80, s30;
	v8 =	vadd.f32 v8, v6;
	v10 =	vld [tilespmem:s31+$0x0]  }
0x45: {  	p0 =	por !p0, !p0;
	s21 =	sor.u32 $0x90, s30;
	s22 =	sor.u32 $0xA0, s30;
	v9 =	vadd.f32 v9, v6;
	v12 =	vld [tilespmem:s23+$0x0];
	v11 =	vadd.f32 v11, v6  }
.LBB2_10:
0x46: {  	s23 =	simm.s32 $0x1  }
0x47: {  	p1 =	sne.s32 s19, $0x1FC0;
	s19 =	sadd.s32 $0x40, s19;
	v13 =	vld [tilespmem:s21+$0x0];
	v6 =	vadd.f32 v7, v6;
	s23 =	simm.s32 @!p0 $0x0  }
.Ltmp4:
0x48: {  	s20 =	sadd.s32 $0x80, s20;
	s21 =	sshll.u32 s23, $0x6;
	v7 =	vld [tilespmem:s22+$0x0];
	(pc) =	sbr.rel @p1 .LBB2_10-.Ltmp4, $4  }
0x49: {  	s22 =	sadd.s32 s21, s20  }
0x4a: {  	v8 =	vadd.f32 v10, v8;
	s23 =	sor.u32 $0x80, s22;
	s21 =	sor.u32 $0x90, s22;
	s24 =	sor.u32 $0xB0, s22  }
0x4b: {  	s22 =	sor.u32 $0xA0, s22;
	v9 =	vadd.f32 v12, v9;
	v10 =	vld [tilespmem:s24+$0x0]  }
0x4c: {  	p0 =	por !p0, !p0;
	v11 =	vadd.f32 v13, v11;
	v12 =	vld [tilespmem:s23+$0x0]  }
0x4d: {  	v13 =	vld [tilespmem:s21+$0x0]  }
0x4e: {  	v14 =	vld [tilespmem:s22+$0x0];
	_ =	sdelay $0x2  }
0x4f: {  	v15 =	vadd.f32 v7, v6  }
0x50: {  	s19 =	simm.s32 $0x80;
	v6 =	vadd.f32 v10, v8;
	v7 =	vadd.f32 v12, v9  }
0x51: {  	s20 =	simm.s32 $0x80;
	s22 =	sadd.s32 $0x0, s10;
	s21 =	simm.s32 $0x180;
	v9 =	vadd.f32 v13, v11;
	v8 =	vadd.f32 v14, v15  }
.LBB2_12:
0x52: {  	[tilespmem:s19], [sflag:$0x2] =	stream.linear.gather [hbm4b:s22+s3], $0x80, $0x38;
	[tilespmem:$0x4180] =	vst v63  }
0x53: {  	s22 =	smov.u32 s20;
	s19 =	smov.u32 s21;
	p0 =	sne.s32 s20, $0x1F80  }
.Ltmp5:
0x54: {  	s20 =	sadd.s32 $0x80, s20;
	(pc) =	sbr.rel @p0 .LBB2_12-.Ltmp5, $2  }
0x55: {  	_ =	sdelay $0x2  }
0x56: {  	s21 =	sadd.s32 $0x100, s21;
	s22 =	sadd.s32 s22, s10  }
0x57: {  	[tilespmem:s19], [sflag:$0x2] =	stream.linear.gather [hbm4b:s22+s3], $0x80, $0x38;
	[tilespmem:$0x4180] =	vst v63  }
0x58: {  	_ =	swait.ge [sflag:s15], $0x2000  }
0x59: {  	s19 =	simm.s32 $0x0;
	[sflag:s15] =	ssyncset.done $0x0  }
0x5a: {  	s20 =	sand.u32 $0x40, s19;
	s21 =	sand.u32 $0x3F00, s19;
	[sflag:s15] =	ssyncadd.s32 $0xFFFFE000  }
0x5b: {  	s20 =	sor.u32 s20, s21;
	v10 =	vld [tilespmem:s6+$0x4000]  }
0x5c: {  	v12 =	vld [tilespmem:s20+$0x30]  }
0x5d: {  	v11 =	vimm.f32 $0.0e+00;
	v13 =	vld [tilespmem:s20+$0x0]  }
0x5e: {  	v14 =	vimm.f32 $0.0e+00;
	v16 =	vimm.f32 $0.0e+00;
	v15 =	vimm.f32 $0.0e+00;
	s21 =	simm.s32 $0x40;
	v17 =	vld [tilespmem:s20+$0x10]  }
.LBB2_14:
0x5f: {  	s22 =	sand.u32 $0x40, s21;
	v18 =	vld [tilespmem:s20+$0x20];
	s19 =	sadd.s32 $0x80, s19;
	p0 =	sne.s32 s21, $0x1FC0  }
.Ltmp6:
0x60: {  	s21 =	sadd.s32 $0x40, s21;
	s20 =	sand.u32 $0x3F00, s19;
	(pc) =	sbr.rel @p0 .LBB2_14-.Ltmp6, $4  }
0x61: {  	s20 =	sor.u32 s22, s20;
	v11 =	vadd.f32 v12, v11  }
0x62: {  	v12 =	vld [tilespmem:s20+$0x30];
	v14 =	vadd.f32 v13, v14  }
0x63: {  	v13 =	vld [tilespmem:s20+$0x0];
	v16 =	vadd.f32 v17, v16  }
0x64: {  	v17 =	vld [tilespmem:s20+$0x10];
	v15 =	vadd.f32 v18, v15  }
0x65: {  	p0 =	por $0x0, $0x0;
	s19 =	simm.s32 $0x1  }
0x66: {  	s19 =	simm.s32 @!p0 $0x0  }
0x67: {  	v18 =	vld [tilespmem:s20+$0x20];
	_ =	swait.ge [sflag:s16], $0x2000;
	s19 =	sshll.u32 s19, $0x6  }
0x68: {  	[sflag:s16] =	ssyncset.done $0x0;
	s19 =	sadd.s32 $0x0, s19  }
0x69: {  	[sflag:s16] =	ssyncadd.s32 $0xFFFFE000;
	s28 =	sor.u32 $0xB0, s19  }
0x6a: {  	s21 =	sor.u32 $0x80, s19;
	v19 =	vld [tilespmem:s28+$0x0]  }
0x6b: {  	p0 =	por !p0, !p0;
	s29 =	sor.u32 $0x90, s19;
	v20 =	vld [tilespmem:s21+$0x0];
	s21 =	simm.s32 $0x1  }
0x6c: {  	v23 =	vld [tilespmem:s29+$0x0];
	s21 =	simm.s32 @!p0 $0x0  }
0x6d: {  	s19 =	sor.u32 $0xA0, s19;
	s30 =	sshll.u32 s21, $0x6  }
0x6e: {  	v13 =	vadd.f32 v13, v14;
	v14 =	vadd.f32 v17, v16;
	v17 =	vld [tilespmem:s19+$0x0];
	s22 =	sadd.s32 $0x80, s30  }
0x6f: {  	v12 =	vadd.f32 v12, v11;
	v11 =	vld [tilespmem:s4+$0x4003];
	v16 =	vimm.f32 $0.0e+00;
	s31 =	sor.u32 $0xB0, s22  }
0x70: {  	s20 =	simm.s32 $0x80;
	v15 =	vadd.f32 v18, v15;
	s19 =	simm.s32 $0x80;
	s23 =	sor.u32 $0x80, s22;
	v18 =	vadd.f32 v19, v16;
	v21 =	vld [tilespmem:s31+$0x0]  }
0x71: {  	p0 =	por !p0, !p0;
	s21 =	sor.u32 $0x90, s22;
	s22 =	sor.u32 $0xA0, s22;
	v20 =	vadd.f32 v20, v16;
	v22 =	vld [tilespmem:s23+$0x0];
	v19 =	vadd.f32 v23, v16  }
.LBB2_16:
0x72: {  	s23 =	simm.s32 $0x1  }
0x73: {  	p1 =	sne.s32 s19, $0x1FC0;
	s19 =	sadd.s32 $0x40, s19;
	v23 =	vld [tilespmem:s21+$0x0];
	v16 =	vadd.f32 v17, v16;
	s23 =	simm.s32 @!p0 $0x0  }
.Ltmp7:
0x74: {  	s20 =	sadd.s32 $0x80, s20;
	s21 =	sshll.u32 s23, $0x6;
	v17 =	vld [tilespmem:s22+$0x0];
	(pc) =	sbr.rel @p1 .LBB2_16-.Ltmp7, $4  }
0x75: {  	s22 =	sadd.s32 s21, s20  }
0x76: {  	v18 =	vadd.f32 v21, v18;
	s23 =	sor.u32 $0x80, s22;
	s21 =	sor.u32 $0x90, s22;
	s24 =	sor.u32 $0xB0, s22  }
0x77: {  	s22 =	sor.u32 $0xA0, s22;
	v20 =	vadd.f32 v22, v20;
	v21 =	vld [tilespmem:s24+$0x0]  }
0x78: {  	p0 =	por !p0, !p0;
	v19 =	vadd.f32 v23, v19;
	v22 =	vld [tilespmem:s23+$0x0]  }
0x79: {  	v2 =	vadd.f32 v3, v2;
	v48 =	vld [tilespmem:s21+$0x0]  }
0x7a: {  	v1 =	vadd.f32 v1, v4;
	v49 =	vld [tilespmem:s22+$0x0];
	v50 =	vadd.f32 v9, v7  }
0x7b: {  	v6 =	vadd.f32 v6, v8;
	v51 =	vadd.f32 v17, v16  }
0x7c: {  	v0 =	vbroadcast v0, $0x0;
	v56 =	vadd.f32 v14, v13;
	v1 =	vadd.f32 v1, v2  }
0x7d: {  	v57 =	vadd.f32 v12, v15;
	v54 =	vadd.f32 v6, v50  }
0x7e: {  	v52 =	vadd.f32 v21, v18;
	v53 =	vadd.f32 v22, v20;
	v0 =	vmul.f32 v1, v0  }
0x7f: {  	v55 =	vbroadcast v5, $0x0;
	v3 =	vadd.f32 v48, v19;
	v4 =	vadd.f32 v49, v51  }
0x80: {  	v59 =	vbroadcast v10, $0x0;
	v58 =	vadd.f32 v57, v56;
	v0 =	vadd.f32 $0.0e+00, v0  }
0x81: {  	v1 =	vmul.f32 v54, v55;
	v3 =	vadd.f32 v3, v53;
	v4 =	vadd.f32 v52, v4  }
0x82: {  	v62 =	vbroadcast v11, $0x0  }
0x83: {  	v60 =	vmul.f32 v58, v59;
	v0 =	vadd.f32 v1, v0;
	v61 =	vadd.f32 v4, v3;
	_ =	sdelay $0x1  }
0x84: {  	v0 =	vadd.f32 v60, v0;
	v63 =	vmul.f32 v61, v62;
	_ =	sdelay $0x1  }
0x85: {  	v0 =	vadd.f32 v63, v0;
	_ =	sdelay $0x1  }
0x86: {  	s18 =	sadd.s32 $0x1, s18;
	v0 =	vmul.f32 $-9.536743160e-07, v0  }
0x87: {  	p0 =	sne.s32 s18, s12  }
.Ltmp8:
0x88: {  	[tilespmem:$0x4100] =	vst v0;
	(pc) =	sbr.rel @p0 .LBB2_1-.Ltmp8, $4  }
0x89: {  	[hbm4b:s11+s3] =	stream.linear.scatter [tilespmem:s17], [sflag:$0x3], $0x80, $0x38;
	[tilespmem:$0x4180] =	vst v63  }
0x8a: {  	_ =	swait.ge [sflag:s14], $0x80  }
0x8b: {  	[sflag:s14] =	ssyncset.done $0x0  }
0x8c: {  	[sflag:s14] =	ssyncadd.s32 $0xFFFFFF80  }
0x8d: {  	_ =	sfence.sel $0x180000  }
0x8e: {  	[bflag:$0x0] =	sbarrier.arrive $0xFFFF  }
0x8f: {  	p0 =	sne.s32 s1, $0x0;
	_ =	strace $0x90000047  }
0x90: {  	s0 =	sadd.s32 @!p0 $0x100000, s0;
	[bflag:$0x2] =	sbarrier.arrive $0xFFFF  }
0x91: {  	[sflag:s0] =	ssyncadd.tile.s32 @!p0 $0x1;
	_ =	shalt  }
.Lfunc_end2:
_tile_overlayer_lowered:
.L_overlay_start_2:
0x92: {  	(tag) =	ssettag $0x2  }
0x93: {  	s0 =	rddreg [dreg:$0x0];
	s2 =	stileid.u32  }
0x94: {  	s1 =	rddreg [dreg:$0x1];
	p0 =	sne.s32 s2, $0x0  }
0x95: {  	s3 =	rddreg [dreg:$0x2];
	[bflag:$0x3] =	sbarrier.arrive $0xFFFF;
	s2 =	simm.s32 @!p0 $0x1C03  }
0x96: {  	[timem:s3], [sflag:s2] =	dma.local @!p0 [hbm:s0], s1  }
0x97: {  	s0 =	simm.s32 @!p0 $0x3  }
0x98: {  	_ =	swait.ge @!p0 [sflag:s0], s1  }
0x99: {  	s1 =	ssub.s32 @!p0 $0x0, s1;
	[sflag:s0] =	ssyncset.done @!p0 $0x0  }
0x9a: {  	[sflag:s0] =	ssyncadd.s32 @!p0 s1  }
0x9b: {  	[bflag:$0x3] =	sbarrier.arrive $0xFFFF  }
0x9c: {  	_ =	shalt  }

</sc_bundles>
